<compile_context>
chip_gen: v7x
topology: tpu7x:2x2x1
jax: 0.10.2.dev20260603
libtpu: 0.0.44.dev20260713+nightly
codegen_flags: <defaults>
</compile_context>

<pallas_src>
import functools

import jax
import jax.numpy as jnp
from jax import lax
from jax.experimental import pallas as pl
from jax.experimental.pallas import tpu as pltpu
from jax.experimental.pallas import tpu_sc as plsc

_OUT_D = 128
_L = 16384
_NC = 2
_NS = 16
_NW = _NC * _NS
_PER_W = _L // _NW
_CHUNK = 128
_NCHUNK = _PER_W // _CHUNK
_NVEC = _OUT_D // 16


def _sc_partial_sums(idx_hbm, table_hbm, out_hbm, idx_v, rows_v, acc_v, sem):
    wid = lax.axis_index("s") * _NC + lax.axis_index("c")
    pltpu.sync_copy(idx_hbm.at[wid], idx_v)
    copies = [
        pltpu.async_copy(table_hbm.at[idx_v.at[k]], rows_v.at[k], sem)
        for k in range(_NCHUNK)
    ]
    for c in copies:
        c.wait()

    def body(i, accs):
        c = i // _CHUNK
        r = lax.rem(i, _CHUNK)
        return tuple(
            accs[j] + rows_v[c, r, pl.ds(j * 16, 16)] for j in range(_NVEC)
        )

    zero = jnp.zeros((16,), jnp.float32)
    accs = lax.fori_loop(0, _PER_W, body, (zero,) * _NVEC)
    for j in range(_NVEC):
        acc_v[pl.ds(j * 16, 16)] = accs[j]
    pltpu.sync_copy(acc_v, out_hbm.at[wid])


def _tc_finish(p_ref, o_ref):
    o_ref[...] = jnp.sum(p_ref[...], axis=0, keepdims=True) * (1.0 / _L)


def kernel(x, weight):
    idx = x.astype(jnp.int32).reshape(_NW, _NCHUNK, _CHUNK)
    mesh = plsc.VectorSubcoreMesh(core_axis_name="c", subcore_axis_name="s")
    partial = pl.kernel(
        _sc_partial_sums,
        mesh=mesh,
        out_type=jax.ShapeDtypeStruct((_NW, _OUT_D), jnp.float32),
        scratch_types=[
            pltpu.VMEM((_NCHUNK, _CHUNK), jnp.int32),
            pltpu.VMEM((_NCHUNK, _CHUNK, _OUT_D), jnp.float32),
            pltpu.VMEM((_OUT_D,), jnp.float32),
            pltpu.SemaphoreType.DMA,
        ],
    )(idx, weight)
    return pl.pallas_call(
        _tc_finish,
        out_shape=jax.ShapeDtypeStruct((1, _OUT_D), jnp.float32),
    )(partial)

# --- scband reference (transcript-rebuilt; emitter-appended) ---
"""Pipeline reference for scband-embedding-bag-layer-31396210934384 (READ-ONLY COPY).

The authoritative reference and input builder live on the scoring server;
editing this copy changes nothing except your own understanding.
"""

import jax, jax.numpy as jnp
import numpy as np

IN_DIM = 100000
OUT_DIM = 128
L = 16384

def setup_inputs(seed: int = 0) -> dict:
    key = jax.random.key(seed)
    k1, k2 = jax.random.split(key)
    x = jax.random.randint(k1, (L,), 0, IN_DIM, dtype=jnp.int64) if jax.config.jax_enable_x64 else jax.random.randint(k1, (L,), 0, IN_DIM, dtype=jnp.int32)
    # nn.EmbeddingBag weight init ~ N(0, 1)
    weight = jax.random.normal(k2, (IN_DIM, OUT_DIM), dtype=jnp.float32)
    return {"x": x, "weight": weight}

def reference(x, weight):
    # torch: nn.EmbeddingBag(in_dim, out_dim, mode='mean')(x, offsets=[0])
    # single bag spanning all of x -> mean of gathered rows, shape [1, out_dim]
    gathered = jnp.take(weight, x, axis=0)          # [L, out_dim] gather
    out = jnp.mean(gathered, axis=0, keepdims=True)  # [1, out_dim]
    return out

if __name__ == "__main__":
    import jax
    _d = setup_inputs()
    print(jax.jit(kernel)(*tuple(_d.values())))

</pallas_src>

<mosaic_0001>
#map = affine_map<(d0, d1) -> (0, 0, 0)>
#map1 = affine_map<(d0, d1) -> (0, 0)>
module attributes {stable_mosaic.version = 14 : i64} {
  func.func @_sc_partial_sums(%arg0: i32, %arg1: i32, %arg2: memref<32x4x128xi32, #tpu.memory_space<hbm>>, %arg3: memref<100000x128xf32, #tpu.memory_space<hbm>>, %arg4: memref<32x128xf32, #tpu.memory_space<hbm>>, %arg5: memref<4x128xi32, #tpu.memory_space<vmem>>, %arg6: memref<4x128x128xf32, #tpu.memory_space<vmem>>, %arg7: memref<128xf32, #tpu.memory_space<vmem>>, %arg8: memref<!tpu.dma_semaphore, #tpu.memory_space<semaphore_mem>>) attributes {dimension_semantics = [#tpu.dimension_semantics<core_parallel>, #tpu.dimension_semantics<subcore_parallel>], iteration_bounds = array<i64: 2, 16>, scalar_prefetch = 0 : i64, scratch_operands = 4 : i64, tpu.core_type = #tpu.core_type<sc_vector_subcore>, window_params = [{transform_indices = #map}, {transform_indices = #map1}, {transform_indices = #map1}]} {
    %mul3A = arith.constant 2 : i32
    %mul3A_0 = arith.muli %arg1, %mul3A : i32
    %add3A = arith.addi %mul3A_0, %arg0 : i32
    "tpu.region"() ({
      %run_scoped3A = tpu.sem_alloc : memref<!tpu.dma_semaphore, #tpu.memory_space<semaphore_mem>>
      %dma_start3A_132 = arith.constant 0 : i32
      %dma_start3A_133 = arith.constant 0 : i32
      %dma_start3A_134 = tpu.memref_slice %arg2[%add3A, %dma_start3A_132, %dma_start3A_133] : memref<32x4x128xi32, #tpu.memory_space<hbm>> -> memref<1x4x128xi32, #tpu.memory_space<hbm>>
      %dma_start3A_135 = tpu.memref_squeeze %dma_start3A_134 : memref<1x4x128xi32, #tpu.memory_space<hbm>> -> memref<4x128xi32, #tpu.memory_space<hbm>>
      %dma_start3A_136 = arith.constant 0 : i32
      %dma_start3A_137 = arith.constant 0 : i32
      %dma_start3A_138 = tpu.memref_slice %arg2[%add3A, %dma_start3A_136, %dma_start3A_137] : memref<32x4x128xi32, #tpu.memory_space<hbm>> -> memref<1x4x128xi32, #tpu.memory_space<hbm>>
      %dma_start3A_139 = tpu.memref_squeeze %dma_start3A_138 : memref<1x4x128xi32, #tpu.memory_space<hbm>> -> memref<4x128xi32, #tpu.memory_space<hbm>>
      tpu.enqueue_dma source(%dma_start3A_139 : memref<4x128xi32, #tpu.memory_space<hbm>>) target(%arg5 : memref<4x128xi32, #tpu.memory_space<vmem>>) target_semaphore(%run_scoped3A : memref<!tpu.dma_semaphore, #tpu.memory_space<semaphore_mem>>)
      %dma_wait3A_140 = arith.constant 0 : i32
      %dma_wait3A_141 = arith.constant 0 : i32
      %dma_wait3A_142 = tpu.memref_slice %arg2[%add3A, %dma_wait3A_140, %dma_wait3A_141] : memref<32x4x128xi32, #tpu.memory_space<hbm>> -> memref<1x4x128xi32, #tpu.memory_space<hbm>>
      %dma_wait3A_143 = tpu.memref_squeeze %dma_wait3A_142 : memref<1x4x128xi32, #tpu.memory_space<hbm>> -> memref<4x128xi32, #tpu.memory_space<hbm>>
      %dma_wait3A_144 = arith.constant 0 : i32
      %dma_wait3A_145 = arith.constant 0 : i32
      %dma_wait3A_146 = tpu.memref_slice %arg2[%add3A, %dma_wait3A_144, %dma_wait3A_145] : memref<32x4x128xi32, #tpu.memory_space<hbm>> -> memref<1x4x128xi32, #tpu.memory_space<hbm>>
      %dma_wait3A_147 = tpu.memref_squeeze %dma_wait3A_146 : memref<1x4x128xi32, #tpu.memory_space<hbm>> -> memref<4x128xi32, #tpu.memory_space<hbm>>
      tpu.wait_dma2 semaphore(%run_scoped3A : memref<!tpu.dma_semaphore, #tpu.memory_space<semaphore_mem>>) src(%dma_wait3A_147 : memref<4x128xi32, #tpu.memory_space<hbm>>) dst(%arg5 : memref<4x128xi32, #tpu.memory_space<vmem>>)
      tpu.yield
    }) : () -> ()
    %dma_start3A = arith.constant 0 : i32
    %dma_start3A_1 = arith.constant 0 : i32
    %dma_start3A_2 = arith.constant 0 : i32
    %dma_start3A_3 = arith.constant 0 : i32
    %dma_start3A_4 = tpu.memref_slice %arg6[%dma_start3A_1, %dma_start3A_2, %dma_start3A_3] : memref<4x128x128xf32, #tpu.memory_space<vmem>> -> memref<1x128x128xf32, #tpu.memory_space<vmem>>
    %dma_start3A_5 = tpu.memref_squeeze %dma_start3A_4 : memref<1x128x128xf32, #tpu.memory_space<vmem>> -> memref<128x128xf32, #tpu.memory_space<vmem>>
    %dma_start3A_6 = arith.constant 0 : i32
    %dma_start3A_7 = tpu.memref_slice %arg5[%dma_start3A, %dma_start3A_6] : memref<4x128xi32, #tpu.memory_space<vmem>> -> memref<1x128xi32, #tpu.memory_space<vmem>>
    %dma_start3A_8 = tpu.memref_squeeze %dma_start3A_7 : memref<1x128xi32, #tpu.memory_space<vmem>> -> memref<128xi32, #tpu.memory_space<vmem>>
    %dma_start3A_9 = arith.constant 0 : i32
    %dma_start3A_10 = arith.constant 0 : i32
    %dma_start3A_11 = tpu.memref_slice %arg3[%dma_start3A_9, %dma_start3A_10] : memref<100000x128xf32, #tpu.memory_space<hbm>> -> memref<100000x128xf32, #tpu.memory_space<hbm>>
    tpu.enqueue_indirect_dma source(%dma_start3A_11 : memref<100000x128xf32, #tpu.memory_space<hbm>>) target(%dma_start3A_5 : memref<128x128xf32, #tpu.memory_space<vmem>>) offsets(%dma_start3A_8 : memref<128xi32, #tpu.memory_space<vmem>>) semaphore(%arg8 : memref<!tpu.dma_semaphore, #tpu.memory_space<semaphore_mem>>)
    %dma_start3A_12 = arith.constant 1 : i32
    %dma_start3A_13 = arith.constant 1 : i32
    %dma_start3A_14 = arith.constant 0 : i32
    %dma_start3A_15 = arith.constant 0 : i32
    %dma_start3A_16 = tpu.memref_slice %arg6[%dma_start3A_13, %dma_start3A_14, %dma_start3A_15] : memref<4x128x128xf32, #tpu.memory_space<vmem>> -> memref<1x128x128xf32, #tpu.memory_space<vmem>>
    %dma_start3A_17 = tpu.memref_squeeze %dma_start3A_16 : memref<1x128x128xf32, #tpu.memory_space<vmem>> -> memref<128x128xf32, #tpu.memory_space<vmem>>
    %dma_start3A_18 = arith.constant 0 : i32
    %dma_start3A_19 = tpu.memref_slice %arg5[%dma_start3A_12, %dma_start3A_18] : memref<4x128xi32, #tpu.memory_space<vmem>> -> memref<1x128xi32, #tpu.memory_space<vmem>>
    %dma_start3A_20 = tpu.memref_squeeze %dma_start3A_19 : memref<1x128xi32, #tpu.memory_space<vmem>> -> memref<128xi32, #tpu.memory_space<vmem>>
    %dma_start3A_21 = arith.constant 0 : i32
    %dma_start3A_22 = arith.constant 0 : i32
    %dma_start3A_23 = tpu.memref_slice %arg3[%dma_start3A_21, %dma_start3A_22] : memref<100000x128xf32, #tpu.memory_space<hbm>> -> memref<100000x128xf32, #tpu.memory_space<hbm>>
    tpu.enqueue_indirect_dma source(%dma_start3A_23 : memref<100000x128xf32, #tpu.memory_space<hbm>>) target(%dma_start3A_17 : memref<128x128xf32, #tpu.memory_space<vmem>>) offsets(%dma_start3A_20 : memref<128xi32, #tpu.memory_space<vmem>>) semaphore(%arg8 : memref<!tpu.dma_semaphore, #tpu.memory_space<semaphore_mem>>)
    %dma_start3A_24 = arith.constant 2 : i32
    %dma_start3A_25 = arith.constant 2 : i32
    %dma_start3A_26 = arith.constant 0 : i32
    %dma_start3A_27 = arith.constant 0 : i32
    %dma_start3A_28 = tpu.memref_slice %arg6[%dma_start3A_25, %dma_start3A_26, %dma_start3A_27] : memref<4x128x128xf32, #tpu.memory_space<vmem>> -> memref<1x128x128xf32, #tpu.memory_space<vmem>>
    %dma_start3A_29 = tpu.memref_squeeze %dma_start3A_28 : memref<1x128x128xf32, #tpu.memory_space<vmem>> -> memref<128x128xf32, #tpu.memory_space<vmem>>
    %dma_start3A_30 = arith.constant 0 : i32
    %dma_start3A_31 = tpu.memref_slice %arg5[%dma_start3A_24, %dma_start3A_30] : memref<4x128xi32, #tpu.memory_space<vmem>> -> memref<1x128xi32, #tpu.memory_space<vmem>>
    %dma_start3A_32 = tpu.memref_squeeze %dma_start3A_31 : memref<1x128xi32, #tpu.memory_space<vmem>> -> memref<128xi32, #tpu.memory_space<vmem>>
    %dma_start3A_33 = arith.constant 0 : i32
    %dma_start3A_34 = arith.constant 0 : i32
    %dma_start3A_35 = tpu.memref_slice %arg3[%dma_start3A_33, %dma_start3A_34] : memref<100000x128xf32, #tpu.memory_space<hbm>> -> memref<100000x128xf32, #tpu.memory_space<hbm>>
    tpu.enqueue_indirect_dma source(%dma_start3A_35 : memref<100000x128xf32, #tpu.memory_space<hbm>>) target(%dma_start3A_29 : memref<128x128xf32, #tpu.memory_space<vmem>>) offsets(%dma_start3A_32 : memref<128xi32, #tpu.memory_space<vmem>>) semaphore(%arg8 : memref<!tpu.dma_semaphore, #tpu.memory_space<semaphore_mem>>)
    %dma_start3A_36 = arith.constant 3 : i32
    %dma_start3A_37 = arith.constant 3 : i32
    %dma_start3A_38 = arith.constant 0 : i32
    %dma_start3A_39 = arith.constant 0 : i32
    %dma_start3A_40 = tpu.memref_slice %arg6[%dma_start3A_37, %dma_start3A_38, %dma_start3A_39] : memref<4x128x128xf32, #tpu.memory_space<vmem>> -> memref<1x128x128xf32, #tpu.memory_space<vmem>>
    %dma_start3A_41 = tpu.memref_squeeze %dma_start3A_40 : memref<1x128x128xf32, #tpu.memory_space<vmem>> -> memref<128x128xf32, #tpu.memory_space<vmem>>
    %dma_start3A_42 = arith.constant 0 : i32
    %dma_start3A_43 = tpu.memref_slice %arg5[%dma_start3A_36, %dma_start3A_42] : memref<4x128xi32, #tpu.memory_space<vmem>> -> memref<1x128xi32, #tpu.memory_space<vmem>>
    %dma_start3A_44 = tpu.memref_squeeze %dma_start3A_43 : memref<1x128xi32, #tpu.memory_space<vmem>> -> memref<128xi32, #tpu.memory_space<vmem>>
    %dma_start3A_45 = arith.constant 0 : i32
    %dma_start3A_46 = arith.constant 0 : i32
    %dma_start3A_47 = tpu.memref_slice %arg3[%dma_start3A_45, %dma_start3A_46] : memref<100000x128xf32, #tpu.memory_space<hbm>> -> memref<100000x128xf32, #tpu.memory_space<hbm>>
    tpu.enqueue_indirect_dma source(%dma_start3A_47 : memref<100000x128xf32, #tpu.memory_space<hbm>>) target(%dma_start3A_41 : memref<128x128xf32, #tpu.memory_space<vmem>>) offsets(%dma_start3A_44 : memref<128xi32, #tpu.memory_space<vmem>>) semaphore(%arg8 : memref<!tpu.dma_semaphore, #tpu.memory_space<semaphore_mem>>)
    %dma_wait3A = arith.constant 0 : i32
    %dma_wait3A_48 = arith.constant 0 : i32
    %dma_wait3A_49 = arith.constant 0 : i32
    %dma_wait3A_50 = arith.constant 0 : i32
    %dma_wait3A_51 = tpu.memref_slice %arg6[%dma_wait3A_48, %dma_wait3A_49, %dma_wait3A_50] : memref<4x128x128xf32, #tpu.memory_space<vmem>> -> memref<1x128x128xf32, #tpu.memory_space<vmem>>
    %dma_wait3A_52 = tpu.memref_squeeze %dma_wait3A_51 : memref<1x128x128xf32, #tpu.memory_space<vmem>> -> memref<128x128xf32, #tpu.memory_space<vmem>>
    %dma_wait3A_53 = arith.constant 0 : i32
    %dma_wait3A_54 = tpu.memref_slice %arg5[%dma_wait3A, %dma_wait3A_53] : memref<4x128xi32, #tpu.memory_space<vmem>> -> memref<1x128xi32, #tpu.memory_space<vmem>>
    %dma_wait3A_55 = tpu.memref_squeeze %dma_wait3A_54 : memref<1x128xi32, #tpu.memory_space<vmem>> -> memref<128xi32, #tpu.memory_space<vmem>>
    %dma_wait3A_56 = arith.constant 0 : i32
    %dma_wait3A_57 = arith.constant 0 : i32
    %dma_wait3A_58 = tpu.memref_slice %arg3[%dma_wait3A_56, %dma_wait3A_57] : memref<100000x128xf32, #tpu.memory_space<hbm>> -> memref<100000x128xf32, #tpu.memory_space<hbm>>
    tpu.wait_indirect_dma semaphore(%arg8 : memref<!tpu.dma_semaphore, #tpu.memory_space<semaphore_mem>>) src(%dma_wait3A_58 : memref<100000x128xf32, #tpu.memory_space<hbm>>) dst(%dma_wait3A_52 : memref<128x128xf32, #tpu.memory_space<vmem>>)
    %dma_wait3A_59 = arith.constant 1 : i32
    %dma_wait3A_60 = arith.constant 1 : i32
    %dma_wait3A_61 = arith.constant 0 : i32
    %dma_wait3A_62 = arith.constant 0 : i32
    %dma_wait3A_63 = tpu.memref_slice %arg6[%dma_wait3A_60, %dma_wait3A_61, %dma_wait3A_62] : memref<4x128x128xf32, #tpu.memory_space<vmem>> -> memref<1x128x128xf32, #tpu.memory_space<vmem>>
    %dma_wait3A_64 = tpu.memref_squeeze %dma_wait3A_63 : memref<1x128x128xf32, #tpu.memory_space<vmem>> -> memref<128x128xf32, #tpu.memory_space<vmem>>
    %dma_wait3A_65 = arith.constant 0 : i32
    %dma_wait3A_66 = tpu.memref_slice %arg5[%dma_wait3A_59, %dma_wait3A_65] : memref<4x128xi32, #tpu.memory_space<vmem>> -> memref<1x128xi32, #tpu.memory_space<vmem>>
    %dma_wait3A_67 = tpu.memref_squeeze %dma_wait3A_66 : memref<1x128xi32, #tpu.memory_space<vmem>> -> memref<128xi32, #tpu.memory_space<vmem>>
    %dma_wait3A_68 = arith.constant 0 : i32
    %dma_wait3A_69 = arith.constant 0 : i32
    %dma_wait3A_70 = tpu.memref_slice %arg3[%dma_wait3A_68, %dma_wait3A_69] : memref<100000x128xf32, #tpu.memory_space<hbm>> -> memref<100000x128xf32, #tpu.memory_space<hbm>>
    tpu.wait_indirect_dma semaphore(%arg8 : memref<!tpu.dma_semaphore, #tpu.memory_space<semaphore_mem>>) src(%dma_wait3A_70 : memref<100000x128xf32, #tpu.memory_space<hbm>>) dst(%dma_wait3A_64 : memref<128x128xf32, #tpu.memory_space<vmem>>)
    %dma_wait3A_71 = arith.constant 2 : i32
    %dma_wait3A_72 = arith.constant 2 : i32
    %dma_wait3A_73 = arith.constant 0 : i32
    %dma_wait3A_74 = arith.constant 0 : i32
    %dma_wait3A_75 = tpu.memref_slice %arg6[%dma_wait3A_72, %dma_wait3A_73, %dma_wait3A_74] : memref<4x128x128xf32, #tpu.memory_space<vmem>> -> memref<1x128x128xf32, #tpu.memory_space<vmem>>
    %dma_wait3A_76 = tpu.memref_squeeze %dma_wait3A_75 : memref<1x128x128xf32, #tpu.memory_space<vmem>> -> memref<128x128xf32, #tpu.memory_space<vmem>>
    %dma_wait3A_77 = arith.constant 0 : i32
    %dma_wait3A_78 = tpu.memref_slice %arg5[%dma_wait3A_71, %dma_wait3A_77] : memref<4x128xi32, #tpu.memory_space<vmem>> -> memref<1x128xi32, #tpu.memory_space<vmem>>
    %dma_wait3A_79 = tpu.memref_squeeze %dma_wait3A_78 : memref<1x128xi32, #tpu.memory_space<vmem>> -> memref<128xi32, #tpu.memory_space<vmem>>
    %dma_wait3A_80 = arith.constant 0 : i32
    %dma_wait3A_81 = arith.constant 0 : i32
    %dma_wait3A_82 = tpu.memref_slice %arg3[%dma_wait3A_80, %dma_wait3A_81] : memref<100000x128xf32, #tpu.memory_space<hbm>> -> memref<100000x128xf32, #tpu.memory_space<hbm>>
    tpu.wait_indirect_dma semaphore(%arg8 : memref<!tpu.dma_semaphore, #tpu.memory_space<semaphore_mem>>) src(%dma_wait3A_82 : memref<100000x128xf32, #tpu.memory_space<hbm>>) dst(%dma_wait3A_76 : memref<128x128xf32, #tpu.memory_space<vmem>>)
    %dma_wait3A_83 = arith.constant 3 : i32
    %dma_wait3A_84 = arith.constant 3 : i32
    %dma_wait3A_85 = arith.constant 0 : i32
    %dma_wait3A_86 = arith.constant 0 : i32
    %dma_wait3A_87 = tpu.memref_slice %arg6[%dma_wait3A_84, %dma_wait3A_85, %dma_wait3A_86] : memref<4x128x128xf32, #tpu.memory_space<vmem>> -> memref<1x128x128xf32, #tpu.memory_space<vmem>>
    %dma_wait3A_88 = tpu.memref_squeeze %dma_wait3A_87 : memref<1x128x128xf32, #tpu.memory_space<vmem>> -> memref<128x128xf32, #tpu.memory_space<vmem>>
    %dma_wait3A_89 = arith.constant 0 : i32
    %dma_wait3A_90 = tpu.memref_slice %arg5[%dma_wait3A_83, %dma_wait3A_89] : memref<4x128xi32, #tpu.memory_space<vmem>> -> memref<1x128xi32, #tpu.memory_space<vmem>>
    %dma_wait3A_91 = tpu.memref_squeeze %dma_wait3A_90 : memref<1x128xi32, #tpu.memory_space<vmem>> -> memref<128xi32, #tpu.memory_space<vmem>>
    %dma_wait3A_92 = arith.constant 0 : i32
    %dma_wait3A_93 = arith.constant 0 : i32
    %dma_wait3A_94 = tpu.memref_slice %arg3[%dma_wait3A_92, %dma_wait3A_93] : memref<100000x128xf32, #tpu.memory_space<hbm>> -> memref<100000x128xf32, #tpu.memory_space<hbm>>
    tpu.wait_indirect_dma semaphore(%arg8 : memref<!tpu.dma_semaphore, #tpu.memory_space<semaphore_mem>>) src(%dma_wait3A_94 : memref<100000x128xf32, #tpu.memory_space<hbm>>) dst(%dma_wait3A_88 : memref<128x128xf32, #tpu.memory_space<vmem>>)
    %broadcast_in_dim3A = arith.constant 0.000000e+00 : f32
    %broadcast_in_dim3A_95 = vector.broadcast %broadcast_in_dim3A : f32 to vector<16xf32>
    %scan3A = arith.constant 0 : i32
    %scan3A_96 = arith.constant 512 : i32
    %scan3A_97 = arith.addi %scan3A, %scan3A_96 : i32
    %scan3A_98 = arith.constant 1 : i32
    %scan3A_99:8 = scf.for %scan3A_132 = %scan3A to %scan3A_97 step %scan3A_98 iter_args(%scan3A_133 = %broadcast_in_dim3A_95, %scan3A_134 = %broadcast_in_dim3A_95, %scan3A_135 = %broadcast_in_dim3A_95, %scan3A_136 = %broadcast_in_dim3A_95, %scan3A_137 = %broadcast_in_dim3A_95, %scan3A_138 = %broadcast_in_dim3A_95, %scan3A_139 = %broadcast_in_dim3A_95, %scan3A_140 = %broadcast_in_dim3A_95) -> (vector<16xf32>, vector<16xf32>, vector<16xf32>, vector<16xf32>, vector<16xf32>, vector<16xf32>, vector<16xf32>, vector<16xf32>)  : i32 {
      %jit3A = arith.constant 128 : i32
      %div3A = arith.divsi %scan3A_132, %jit3A : i32
      %sign3A = arith.constant 0 : i32
      %sign3A_141 = arith.cmpi sgt, %scan3A_132, %sign3A : i32
      %sign3A_142 = arith.extui %sign3A_141 : i1 to i32
      %sign3A_143 = arith.constant 0 : i32
      %sign3A_144 = arith.cmpi slt, %scan3A_132, %sign3A_143 : i32
      %sign3A_145 = arith.extui %sign3A_144 : i1 to i32
      %sign3A_146 = arith.subi %sign3A_142, %sign3A_145 : i32
      %sign3A_147 = arith.constant 0 : i32
      %sign3A_148 = arith.cmpi sgt, %jit3A, %sign3A_147 : i32
      %sign3A_149 = arith.extui %sign3A_148 : i1 to i32
      %sign3A_150 = arith.constant 0 : i32
      %sign3A_151 = arith.cmpi slt, %jit3A, %sign3A_150 : i32
      %sign3A_152 = arith.extui %sign3A_151 : i1 to i32
      %sign3A_153 = arith.subi %sign3A_149, %sign3A_152 : i32
      %ne3A = arith.cmpi ne, %sign3A_146, %sign3A_153 : i32
      %rem3A = arith.remsi %scan3A_132, %jit3A : i32
      %ne3A_154 = arith.constant 0 : i32
      %ne3A_155 = arith.cmpi ne, %rem3A, %ne3A_154 : i32
      %and3A = arith.andi %ne3A, %ne3A_155 : i1
      %sub3A = arith.constant 1 : i32
      %sub3A_156 = arith.subi %div3A, %sub3A : i32
      %select_n3A = arith.select %and3A, %sub3A_156, %div3A : i32
      %rem3A_157 = arith.constant 128 : i32
      %rem3A_158 = arith.remsi %scan3A_132, %rem3A_157 : i32
      %get3A = arith.index_cast %select_n3A : i32 to index
      %get3A_159 = arith.index_cast %rem3A_158 : i32 to index
      %get3A_160 = arith.constant 0 : index
      %get3A_161 = tpu.vector_load %arg6[%get3A, %get3A_159, %get3A_160] {strides = array<i32>} : memref<4x128x128xf32, #tpu.memory_space<vmem>>, vector<1x1x16xf32>,
      %get3A_162 = vector.shape_cast %get3A_161 : vector<1x1x16xf32> to vector<16xf32>
      %add3A_163 = arith.addf %scan3A_133, %get3A_162 : vector<16xf32>
      %get3A_164 = arith.index_cast %select_n3A : i32 to index
      %get3A_165 = arith.index_cast %rem3A_158 : i32 to index
      %get3A_166 = arith.constant 16 : index
      %get3A_167 = tpu.vector_load %arg6[%get3A_164, %get3A_165, %get3A_166] {strides = array<i32>} : memref<4x128x128xf32, #tpu.memory_space<vmem>>, vector<1x1x16xf32>,
      %get3A_168 = vector.shape_cast %get3A_167 : vector<1x1x16xf32> to vector<16xf32>
      %add3A_169 = arith.addf %scan3A_134, %get3A_168 : vector<16xf32>
      %get3A_170 = arith.index_cast %select_n3A : i32 to index
      %get3A_171 = arith.index_cast %rem3A_158 : i32 to index
      %get3A_172 = arith.constant 32 : index
      %get3A_173 = tpu.vector_load %arg6[%get3A_170, %get3A_171, %get3A_172] {strides = array<i32>} : memref<4x128x128xf32, #tpu.memory_space<vmem>>, vector<1x1x16xf32>,
      %get3A_174 = vector.shape_cast %get3A_173 : vector<1x1x16xf32> to vector<16xf32>
      %add3A_175 = arith.addf %scan3A_135, %get3A_174 : vector<16xf32>
      %get3A_176 = arith.index_cast %select_n3A : i32 to index
      %get3A_177 = arith.index_cast %rem3A_158 : i32 to index
      %get3A_178 = arith.constant 48 : index
      %get3A_179 = tpu.vector_load %arg6[%get3A_176, %get3A_177, %get3A_178] {strides = array<i32>} : memref<4x128x128xf32, #tpu.memory_space<vmem>>, vector<1x1x16xf32>,
      %get3A_180 = vector.shape_cast %get3A_179 : vector<1x1x16xf32> to vector<16xf32>
      %add3A_181 = arith.addf %scan3A_136, %get3A_180 : vector<16xf32>
      %get3A_182 = arith.index_cast %select_n3A : i32 to index
      %get3A_183 = arith.index_cast %rem3A_158 : i32 to index
      %get3A_184 = arith.constant 64 : index
      %get3A_185 = tpu.vector_load %arg6[%get3A_182, %get3A_183, %get3A_184] {strides = array<i32>} : memref<4x128x128xf32, #tpu.memory_space<vmem>>, vector<1x1x16xf32>,
      %get3A_186 = vector.shape_cast %get3A_185 : vector<1x1x16xf32> to vector<16xf32>
      %add3A_187 = arith.addf %scan3A_137, %get3A_186 : vector<16xf32>
      %get3A_188 = arith.index_cast %select_n3A : i32 to index
      %get3A_189 = arith.index_cast %rem3A_158 : i32 to index
      %get3A_190 = arith.constant 80 : index
      %get3A_191 = tpu.vector_load %arg6[%get3A_188, %get3A_189, %get3A_190] {strides = array<i32>} : memref<4x128x128xf32, #tpu.memory_space<vmem>>, vector<1x1x16xf32>,
      %get3A_192 = vector.shape_cast %get3A_191 : vector<1x1x16xf32> to vector<16xf32>
      %add3A_193 = arith.addf %scan3A_138, %get3A_192 : vector<16xf32>
      %get3A_194 = arith.index_cast %select_n3A : i32 to index
      %get3A_195 = arith.index_cast %rem3A_158 : i32 to index
      %get3A_196 = arith.constant 96 : index
      %get3A_197 = tpu.vector_load %arg6[%get3A_194, %get3A_195, %get3A_196] {strides = array<i32>} : memref<4x128x128xf32, #tpu.memory_space<vmem>>, vector<1x1x16xf32>,
      %get3A_198 = vector.shape_cast %get3A_197 : vector<1x1x16xf32> to vector<16xf32>
      %add3A_199 = arith.addf %scan3A_139, %get3A_198 : vector<16xf32>
      %get3A_200 = arith.index_cast %select_n3A : i32 to index
      %get3A_201 = arith.index_cast %rem3A_158 : i32 to index
      %get3A_202 = arith.constant 112 : index
      %get3A_203 = tpu.vector_load %arg6[%get3A_200, %get3A_201, %get3A_202] {strides = array<i32>} : memref<4x128x128xf32, #tpu.memory_space<vmem>>, vector<1x1x16xf32>,
      %get3A_204 = vector.shape_cast %get3A_203 : vector<1x1x16xf32> to vector<16xf32>
      %add3A_205 = arith.addf %scan3A_140, %get3A_204 : vector<16xf32>
      scf.yield %add3A_163, %add3A_169, %add3A_175, %add3A_181, %add3A_187, %add3A_193, %add3A_199, %add3A_205 : vector<16xf32>, vector<16xf32>, vector<16xf32>, vector<16xf32>, vector<16xf32>, vector<16xf32>, vector<16xf32>, vector<16xf32>
    }
    %scan3A_100 = arith.constant 512 : i32
    %swap3A = arith.constant 0 : index
    %swap3A_101 = tpu.vector_load %arg7[%swap3A] {strides = array<i32>} : memref<128xf32, #tpu.memory_space<vmem>>, vector<16xf32>,
    %swap3A_102 = vector.shape_cast %swap3A_101 : vector<16xf32> to vector<16xf32>
    %swap3A_103 = vector.shape_cast %scan3A_99#0 : vector<16xf32> to vector<16xf32>
    tpu.vector_store %arg7[%swap3A], %swap3A_103 {strides = array<i32>} : memref<128xf32, #tpu.memory_space<vmem>>, vector<16xf32>,
    %swap3A_104 = arith.constant 16 : index
    %swap3A_105 = tpu.vector_load %arg7[%swap3A_104] {strides = array<i32>} : memref<128xf32, #tpu.memory_space<vmem>>, vector<16xf32>,
    %swap3A_106 = vector.shape_cast %swap3A_105 : vector<16xf32> to vector<16xf32>
    %swap3A_107 = vector.shape_cast %scan3A_99#1 : vector<16xf32> to vector<16xf32>
    tpu.vector_store %arg7[%swap3A_104], %swap3A_107 {strides = array<i32>} : memref<128xf32, #tpu.memory_space<vmem>>, vector<16xf32>,
    %swap3A_108 = arith.constant 32 : index
    %swap3A_109 = tpu.vector_load %arg7[%swap3A_108] {strides = array<i32>} : memref<128xf32, #tpu.memory_space<vmem>>, vector<16xf32>,
    %swap3A_110 = vector.shape_cast %swap3A_109 : vector<16xf32> to vector<16xf32>
    %swap3A_111 = vector.shape_cast %scan3A_99#2 : vector<16xf32> to vector<16xf32>
    tpu.vector_store %arg7[%swap3A_108], %swap3A_111 {strides = array<i32>} : memref<128xf32, #tpu.memory_space<vmem>>, vector<16xf32>,
    %swap3A_112 = arith.constant 48 : index
    %swap3A_113 = tpu.vector_load %arg7[%swap3A_112] {strides = array<i32>} : memref<128xf32, #tpu.memory_space<vmem>>, vector<16xf32>,
    %swap3A_114 = vector.shape_cast %swap3A_113 : vector<16xf32> to vector<16xf32>
    %swap3A_115 = vector.shape_cast %scan3A_99#3 : vector<16xf32> to vector<16xf32>
    tpu.vector_store %arg7[%swap3A_112], %swap3A_115 {strides = array<i32>} : memref<128xf32, #tpu.memory_space<vmem>>, vector<16xf32>,
    %swap3A_116 = arith.constant 64 : index
    %swap3A_117 = tpu.vector_load %arg7[%swap3A_116] {strides = array<i32>} : memref<128xf32, #tpu.memory_space<vmem>>, vector<16xf32>,
    %swap3A_118 = vector.shape_cast %swap3A_117 : vector<16xf32> to vector<16xf32>
    %swap3A_119 = vector.shape_cast %scan3A_99#4 : vector<16xf32> to vector<16xf32>
    tpu.vector_store %arg7[%swap3A_116], %swap3A_119 {strides = array<i32>} : memref<128xf32, #tpu.memory_space<vmem>>, vector<16xf32>,
    %swap3A_120 = arith.constant 80 : index
    %swap3A_121 = tpu.vector_load %arg7[%swap3A_120] {strides = array<i32>} : memref<128xf32, #tpu.memory_space<vmem>>, vector<16xf32>,
    %swap3A_122 = vector.shape_cast %swap3A_121 : vector<16xf32> to vector<16xf32>
    %swap3A_123 = vector.shape_cast %scan3A_99#5 : vector<16xf32> to vector<16xf32>
    tpu.vector_store %arg7[%swap3A_120], %swap3A_123 {strides = array<i32>} : memref<128xf32, #tpu.memory_space<vmem>>, vector<16xf32>,
    %swap3A_124 = arith.constant 96 : index
    %swap3A_125 = tpu.vector_load %arg7[%swap3A_124] {strides = array<i32>} : memref<128xf32, #tpu.memory_space<vmem>>, vector<16xf32>,
    %swap3A_126 = vector.shape_cast %swap3A_125 : vector<16xf32> to vector<16xf32>
    %swap3A_127 = vector.shape_cast %scan3A_99#6 : vector<16xf32> to vector<16xf32>
    tpu.vector_store %arg7[%swap3A_124], %swap3A_127 {strides = array<i32>} : memref<128xf32, #tpu.memory_space<vmem>>, vector<16xf32>,
    %swap3A_128 = arith.constant 112 : index
    %swap3A_129 = tpu.vector_load %arg7[%swap3A_128] {strides = array<i32>} : memref<128xf32, #tpu.memory_space<vmem>>, vector<16xf32>,
    %swap3A_130 = vector.shape_cast %swap3A_129 : vector<16xf32> to vector<16xf32>
    %swap3A_131 = vector.shape_cast %scan3A_99#7 : vector<16xf32> to vector<16xf32>
    tpu.vector_store %arg7[%swap3A_128], %swap3A_131 {strides = array<i32>} : memref<128xf32, #tpu.memory_space<vmem>>, vector<16xf32>,
    "tpu.region"() ({
      %run_scoped3A = tpu.sem_alloc : memref<!tpu.dma_semaphore, #tpu.memory_space<semaphore_mem>>
      %dma_start3A_132 = arith.constant 0 : i32
      %dma_start3A_133 = tpu.memref_slice %arg4[%add3A, %dma_start3A_132] : memref<32x128xf32, #tpu.memory_space<hbm>> -> memref<1x128xf32, #tpu.memory_space<hbm>>
      %dma_start3A_134 = tpu.memref_squeeze %dma_start3A_133 : memref<1x128xf32, #tpu.memory_space<hbm>> -> memref<128xf32, #tpu.memory_space<hbm>>
      %dma_start3A_135 = arith.constant 0 : i32
      %dma_start3A_136 = tpu.memref_slice %arg4[%add3A, %dma_start3A_135] : memref<32x128xf32, #tpu.memory_space<hbm>> -> memref<1x128xf32, #tpu.memory_space<hbm>>
      %dma_start3A_137 = tpu.memref_squeeze %dma_start3A_136 : memref<1x128xf32, #tpu.memory_space<hbm>> -> memref<128xf32, #tpu.memory_space<hbm>>
      tpu.enqueue_dma source(%arg7 : memref<128xf32, #tpu.memory_space<vmem>>) target(%dma_start3A_137 : memref<128xf32, #tpu.memory_space<hbm>>) target_semaphore(%run_scoped3A : memref<!tpu.dma_semaphore, #tpu.memory_space<semaphore_mem>>)
      %dma_wait3A_138 = arith.constant 0 : i32
      %dma_wait3A_139 = tpu.memref_slice %arg4[%add3A, %dma_wait3A_138] : memref<32x128xf32, #tpu.memory_space<hbm>> -> memref<1x128xf32, #tpu.memory_space<hbm>>
      %dma_wait3A_140 = tpu.memref_squeeze %dma_wait3A_139 : memref<1x128xf32, #tpu.memory_space<hbm>> -> memref<128xf32, #tpu.memory_space<hbm>>
      %dma_wait3A_141 = arith.constant 0 : i32
      %dma_wait3A_142 = tpu.memref_slice %arg4[%add3A, %dma_wait3A_141] : memref<32x128xf32, #tpu.memory_space<hbm>> -> memref<1x128xf32, #tpu.memory_space<hbm>>
      %dma_wait3A_143 = tpu.memref_squeeze %dma_wait3A_142 : memref<1x128xf32, #tpu.memory_space<hbm>> -> memref<128xf32, #tpu.memory_space<hbm>>
      tpu.wait_dma2 semaphore(%run_scoped3A : memref<!tpu.dma_semaphore, #tpu.memory_space<semaphore_mem>>) src(%arg7 : memref<128xf32, #tpu.memory_space<vmem>>) dst(%dma_wait3A_143 : memref<128xf32, #tpu.memory_space<hbm>>)
      tpu.yield
    }) : () -> ()
    return
  }
}

module attributes {stable_mosaic.version = 14 : i64} {
  func.func @_tc_finish(%arg0: memref<32x128xf32, #tpu.memory_space<vmem>>, %arg1: memref<1x128xf32, #tpu.memory_space<vmem>>) attributes {dimension_semantics = [], scalar_prefetch = 0 : i64, scratch_operands = 0 : i64, tpu.core_type = #tpu.core_type<tc>} {
    %get3A = arith.constant 0 : index
    %get3A_0 = arith.constant 0 : index
    %get3A_1 = vector.load %arg0[%get3A, %get3A_0] : memref<32x128xf32, #tpu.memory_space<vmem>>, vector<32x128xf32>
    %reduce_sum3A = arith.constant dense<0.000000e+00> : vector<128xf32>
    %reduce_sum3A_2 = vector.multi_reduction <add>, %get3A_1, %reduce_sum3A [0] : vector<32x128xf32> to vector<128xf32>
    %broadcast_in_dim3A = vector.shape_cast %reduce_sum3A_2 : vector<128xf32> to vector<1x128xf32>
    %mul3A = arith.constant 6.10351563E-5 : f32
    %mul3A_3 = vector.broadcast %mul3A : f32 to vector<1x128xf32>
    %mul3A_4 = arith.mulf %broadcast_in_dim3A, %mul3A_3 : vector<1x128xf32>
    %swap3A = arith.constant 0 : index
    %swap3A_5 = arith.constant 0 : index
    %swap3A_6 = vector.load %arg1[%swap3A, %swap3A_5] : memref<1x128xf32, #tpu.memory_space<vmem>>, vector<1x128xf32>
    tpu.vector_store %arg1[%swap3A, %swap3A_5], %mul3A_4 {strides = array<i32>} : memref<1x128xf32, #tpu.memory_space<vmem>>, vector<1x128xf32>,
    return
  }
}

</mosaic_0001>

<sc_bundles>
// kernel: kernel.4.cloned.1.call-start
scs
__scs_entry_jumppad:
0x0: {  	(pc) =	sbr.rel $0x88, $3  }
0x1: {  	(tag) =	ssettag $0x0;
	lr =	simm.s32 $0x1  }
0x2: {  	[smem:$0x3F9F] =	sst lr;
	_ =	strace $0xD0000000  }
0x3: {  	_ = 	snop  }
0x4: {  	_ = 	snop  }
0x5: {  	_ = 	snop  }
0x6: {  	_ = 	snop  }
0x7: {  	_ = 	snop  }
__scs_overlays_trampoline_lowered:
0x8: {  	[smem:$0x3FAE] =	sst s0  }
0x9: {  	[smem:$0x3FAF] =	sst s1  }
0xa: {  	[smem:$0x3FB0] =	sst s2  }
0xb: {  	[smem:$0x3FB1] =	sst s3  }
0xc: {  	[smem:$0x3FB2] =	sst s4  }
0xd: {  	[smem:$0x3FB3] =	sst s5  }
0xe: {  	[smem:$0x3FB4] =	sst s6  }
0xf: {  	[smem:$0x3FB5] =	sst s7  }
0x10: {  	[smem:$0x3FB6] =	sst s8  }
0x11: {  	[smem:$0x3FB7] =	sst s9;
	s0 =	simm.s32 @!p0 $0x0  }
0x12: {  	s1 =	sld [smem:$0x3F9D];
	s0 =	simm.s32 @p0 $0x1  }
0x13: {  	[smem:$0x3FB8] =	sst s0;
	s0 =	simm.s32 @!p1 $0x0  }
0x14: {  	s2 =	sld [smem:$0x3F9C];
	s0 =	simm.s32 @p1 $0x1  }
0x15: {  	[smem:$0x3FB9] =	sst s0;
	s0 =	simm.s32 @!p2 $0x0  }
0x16: {  	s3 =	sld [smem:$0x3FDB];
	s0 =	simm.s32 @p2 $0x1  }
0x17: {  	s4 =	simm.s32 $0x1BF5;
	[smem:$0x3FBB] =	sst s0  }
0x18: {  	s0 =	sld [smem:$0x3F9E];
	_ =	swait.ge [sflag:s4], $0x0  }
0x19: {  	s7 =	sld [smem:$0x3F9F]  }
0x1a: {  	s8 =	sadd.s32 $0xFFFFE003, lr  }
0x1b: {  	s9 =	sadd.s32 $0xFFFFFEF7, lr;
	s5 =	simm.s32 $0xFFFFFFFF;
	p2 =	slt.u32 s8, $0xFFFFF086  }
0x1c: {  	p1 =	slt.u32 s9, $0xF7A;
	s5 =	simm.s32 @!p2 $0x0  }
0x1d: {  	s5 =	simm.s32 @p1 $0x1;
	p0 =	seq.s32 s7, s2  }
0x1e: {  	s7 =	smul.u32 @!p0 $0xF7A, s2;
	p2 =	seq.s32 @!p0 s5, $0x0  }
0x1f: {  	s9 =	smul.u32 $0xF7A, s1;
	s8 =	simm.s32 @!p0 $0x1BF5;
	p2 =	por !p2, p0  }
0x20: {  	[sflag:s8] =	ssyncset.s32 @!p0 $0xFFFFF086;
	s6 =	sadd.s32 @!p0 s3, s7;
	s7 =	simm.s32 @!p0 $0x108  }
0x21: {  	s3 =	sadd.s32 s3, s9;
	s6 =	sadd.s32 @!p0 $0x88, s6;
	s7 =	simm.s32 @p2 $0x1082  }
0x22: {  	[simem:s7], [sflag:s8] =	dma.local @!p0 [hbm:s6], $0xF7A  }
0x23: {  	s9 =	sor.u32 $0xD0000000, s2;
	s6 =	simm.s32 $0x108;
	_ =	swait.ge @!p0 [sflag:s8], $0x0  }
0x24: {  	s3 =	sadd.s32 $0x88, s3;
	s6 =	simm.s32 @!p1 $0x1082;
	[sflag:s4] =	ssyncset.s32 $0xFFFFF086  }
0x25: {  	[simem:s6], [sflag:s4] =	dma.local [hbm:s3], $0xF7A  }
0x26: {  	[smem:$0x3F9F] =	sst s1;
	(tag) =	ssettag s2;
	_ =	strace s9  }
0x27: {  	s1 =	sld [smem:$0x3FAF]  }
0x28: {  	s2 =	sld [smem:$0x3FB0]  }
0x29: {  	s4 =	sld [smem:$0x3FB2]  }
0x2a: {  	p0 =	seq.s32 s5, $0x0;
	s5 =	sld [smem:$0x3FB3]  }
0x2b: {  	s6 =	sld [smem:$0x3FB4]  }
0x2c: {  	s7 =	sld [smem:$0x3FB5]  }
0x2d: {  	s3 =	simm.s32 $0x108;
	s8 =	sld [smem:$0x3FB6]  }
0x2e: {  	s3 =	simm.s32 @!p0 $0x1082;
	s9 =	sld [smem:$0x3FB7]  }
0x2f: {  	lr =	sadd.s32 s0, s3;
	s0 =	sld [smem:$0x3FAE]  }
0x30: {  	s3 =	sld [smem:$0x3FB1]  }
0x31: {  	[smem:$0x3FBA] =	sst s10  }
0x32: {  	s10 =	sld [smem:$0x3FB8];
	_ =	sdelay $0x3  }
0x33: {  	p0 =	seq.s32 s10, $0x1;
	s10 =	sld [smem:$0x3FBA];
	_ =	sdelay $0x3  }
0x34: {  	[smem:$0x3FBA] =	sst s10  }
0x35: {  	s10 =	sld [smem:$0x3FB9];
	_ =	sdelay $0x3  }
0x36: {  	p1 =	seq.s32 s10, $0x1;
	s10 =	sld [smem:$0x3FBA];
	_ =	sdelay $0x3  }
0x37: {  	[smem:$0x3FBA] =	sst s10  }
0x38: {  	s10 =	sld [smem:$0x3FBB]  }
0x39: {  	_ = 	snop;
	(pc) =	sbr.ind lr, $3  }
0x3a: {  	_ = 	snop  }
0x3b: {  	_ = 	snop  }
0x3c: {  	p2 =	seq.s32 s10, $0x1;
	s10 =	sld [smem:$0x3FBA]  }
0x3d: {  	_ =	shalt  }
0x3e: {  	_ =	shalt  }
0x3f: {  	_ =	shalt  }
0x40: {  	_ =	shalt  }
0x41: {  	_ =	shalt  }
0x42: {  	_ =	shalt  }
0x43: {  	_ =	shalt  }
0x44: {  	_ =	shalt  }
0x45: {  	_ =	shalt  }
0x46: {  	_ =	shalt  }
0x47: {  	_ =	shalt  }
0x48: {  	_ =	shalt  }
0x49: {  	_ =	shalt  }
0x4a: {  	_ =	shalt  }
0x4b: {  	_ =	shalt  }
0x4c: {  	_ =	shalt  }
0x4d: {  	_ =	shalt  }
0x4e: {  	_ =	shalt  }
0x4f: {  	_ =	shalt  }
0x50: {  	_ =	shalt  }
0x51: {  	_ =	shalt  }
0x52: {  	_ =	shalt  }
0x53: {  	_ =	shalt  }
0x54: {  	_ =	shalt  }
0x55: {  	_ =	shalt  }
0x56: {  	_ =	shalt  }
0x57: {  	_ =	shalt  }
0x58: {  	_ =	shalt  }
0x59: {  	_ =	shalt  }
0x5a: {  	_ =	shalt  }
0x5b: {  	_ =	shalt  }
0x5c: {  	_ =	shalt  }
0x5d: {  	_ =	shalt  }
0x5e: {  	_ =	shalt  }
0x5f: {  	_ =	shalt  }
0x60: {  	_ =	shalt  }
0x61: {  	_ =	shalt  }
0x62: {  	_ =	shalt  }
0x63: {  	_ =	shalt  }
0x64: {  	_ =	shalt  }
0x65: {  	_ =	shalt  }
0x66: {  	_ =	shalt  }
0x67: {  	_ =	shalt  }
0x68: {  	_ =	shalt  }
0x69: {  	_ =	shalt  }
0x6a: {  	_ =	shalt  }
0x6b: {  	_ =	shalt  }
0x6c: {  	_ =	shalt  }
0x6d: {  	_ =	shalt  }
0x6e: {  	_ =	shalt  }
0x6f: {  	_ =	shalt  }
0x70: {  	_ =	shalt  }
0x71: {  	_ =	shalt  }
0x72: {  	_ =	shalt  }
0x73: {  	_ =	shalt  }
0x74: {  	_ =	shalt  }
0x75: {  	_ =	shalt  }
0x76: {  	_ =	shalt  }
0x77: {  	_ =	shalt  }
0x78: {  	_ =	shalt  }
0x79: {  	_ =	shalt  }
0x7a: {  	_ =	shalt  }
0x7b: {  	_ =	shalt  }
0x7c: {  	_ =	shalt  }
0x7d: {  	_ =	shalt  }
0x7e: {  	_ =	shalt  }
0x7f: {  	_ =	shalt  }
0x80: {  	_ =	shalt  }
0x81: {  	_ =	shalt  }
0x82: {  	_ =	shalt  }
0x83: {  	_ =	shalt  }
0x84: {  	_ =	shalt  }
0x85: {  	_ =	shalt  }
0x86: {  	_ =	shalt  }
0x87: {  	_ =	shalt  }
.Lfunc_end0:
.L_simem_size_0:
called_computation_lowered:
.L_overlay_start_0:
0x88: {  	s2 =	sld [smem:$0x3FD9]  }
0x89: {  	s3 =	sld [smem:$0x3FFE];
	_ =	sdelay $0x1  }
0x8a: {  	s1 =	srdreg.scid  }
0x8b: {  	s0 =	sand.u32 $0x1, s1  }
0x8c: {  	s17 =	sshll.u32 s0, $0xA;
	s2 =	sadd.s32 s3, s2  }
0x8d: {  	s2 =	sadd.s32 s2, s17  }
0x8e: {  	[smem:$0x3FC6] =	sst s2  }
0x8f: {  	_ = 	snop  }
0x90: {  	s2 =	sld [smem:$0x3FC9]  }
0x91: {  	s18 =	sld [smem:$0x3FC8];
	(tm) =	ssettm $0x1  }
0x92: {  	s4 =	sld [smem:$0x3FFB];
	_ =	sdelay $0x3  }
0x93: {  	_ =	strace s4  }
0x94: {  	s4 =	sld [smem:$0x3FFC];
	_ =	sdelay $0x3  }
0x95: {  	_ =	strace s4  }
0x96: {  	s4 =	sld [smem:$0x3FFD];
	_ =	sdelay $0x3  }
0x97: {  	_ =	strace s4  }
0x98: {  	_ =	strace $0x8FFFFFFF  }
0x99: {  	s19 =	sld [smem:$0x3FDB];
	_ =	sdelay $0x1  }
0x9a: {  	s5 =	simm.s32 $_scs_section_size  }
0x9b: {  	s6 =	simm.s32 $_size__tile_overlayer_lowered;
	s7 =	simm.s32 $_tile_overlayer_lowered  }
0x9c: {  	s22 =	simm.s32 $0x1BFF;
	s21 =	sshll.u32 s7, $0x1;
	s4 =	sadd.s32 s5, s19  }
0x9d: {  	s8 =	simm.s32 $0x0;
	s20 =	sshll.u32 s6, $0x1;
	s6 =	sadd.s32 s21, s4  }
0x9e: {  	[timem:s8], [sflag:s22] =	dma.local [hbm:s6], s20  }
0x9f: {  	_ =	swait.ge [sflag:s22], s20  }
0xa0: {  	s5 =	ssub.s32 $0x0, s20;
	[sflag:s22] =	ssyncset.done $0x0  }
0xa1: {  	[sflag:s22] =	ssyncadd.s32 s5;
	_ =	sdelay $0x1  }
0xa2: {  	s23 =	simm.s32 $0x1B8B  }
0xa3: {  	_ =	swait.ge [sflag:s23], $0x1  }
0xa4: {  	[sflag:s23] =	ssyncset.done $0x0  }
0xa5: {  	s25 =	simm.s32 $0x1B8E;
	s24 =	sld [smem:$0x3FFE];
	[sflag:s23] =	ssyncadd.s32 $0xFFFFFFFF  }
0xa6: {  	s26 =	simm.s32 $execute0_lowered;
	[smem:$0x3FD2] =	sst s25  }
0xa7: {  	s6 =	sshll.u32 s26, $0x1;
	_ =	strace $0x80000046;
	[dreg:$0x1] =	wrdreg $0xFFFFFFFF  }
0xa8: {  	s28 =	simm.s32 $_size_execute0_lowered;
	s4 =	sadd.s32 s4, s6;
	[dreg:$0x0] =	wrdreg $0x0  }
0xa9: {  	s6 =	sshll.u32 s28, $0x1;
	[dreg:$0x2] =	wrdreg s4  }
0xaa: {  	[dreg:$0x3] =	wrdreg s6  }
0xab: {  	[dreg:$0x4] =	wrdreg $0xC0  }
0xac: {  	_ =	task [dreg:s8], $0x5FFFF  }
0xad: {  	[dreg:$0x1] =	wrdreg $0xFFFFFFFF  }
0xae: {  	[dreg:$0x0] =	wrdreg $0x60  }
0xaf: {  	[dreg:$0x2] =	wrdreg s2  }
0xb0: {  	[dreg:$0x3] =	wrdreg s18  }
0xb1: {  	[dreg:$0x4] =	wrdreg s24  }
0xb2: {  	[dreg:$0x5] =	wrdreg $0x9  }
0xb3: {  	_ =	task.clear_ibuf [dreg:s8], $0x6FFFF;
	_ =	strace $0x90000046  }
0xb4: {  	s29 =	simm.s32 $0x9;
	_ =	strace $0x80000048  }
0xb5: {  	_ =	swait.ge [sflag:s29], $0x1  }
0xb6: {  	[sflag:s29] =	ssyncadd.s32 $0xFFFFFFFF  }
0xb7: {  	_ =	strace $0x90000048  }
0xb8: {  	_ =	sfence  }
0xb9: {  	s30 =	sld [smem:$0x0];
	_ =	sdelay $0x2  }
0xba: {  	s31 =	sshll.u32 s1, $0xD;
	s1 =	sshrl.u32 s1, $0x2  }
0xbb: {  	s3 =	sand.u32 $0x4000, s31;
	s1 =	sadd.s32 s1, s30  }
0xbc: {  	s0 =	sor.u32 s3, s0;
	s1 =	sshll.u32 s1, $0x11  }
0xbd: {  	s0 =	sor.u32 s1, s0  }
0xbe: {  	s0 =	sadd.s32 $0x8F2B, s0  }
0xbf: {  	[sflag:s0] =	ssyncadd.remote.s32 $0x1  }
0xc0: {  	_ =	sfence.sel $0xFFFF  }
0xc1: {  	[dreg:$0x0] =	wrdreg $0xFFFFFFFF;
	(pc) =	sbr.abs _section_cstart, $3  }
0xc2: {  	[dreg:$0x1] =	wrdreg $0xFFFFFFFF  }
0xc3: {  	_ =	task.clear_ibuf [dreg:s8], $0x2FFFF;
	_ =	strace $0x9FFFFFFF  }
0xc4: {  	(tm) =	ssettm $0x7FFFFFFF  }
0xc5: {  	_ =	shalt  }
tec
execute0_lowered:
.L_overlay_start_1:
0x0: {  	(tag) =	ssettag $0x1  }
0x1: {  	s4 =	rddreg [dreg:$0x0]  }
0x2: {  	s2 =	rddreg [dreg:$0x1]  }
0x3: {  	s5 =	rddreg [dreg:$0x2]  }
0x4: {  	s0 =	rddreg [dreg:$0x3]  }
0x5: {  	s6 =	srdreg.scid;
	s1 =	stileid.u32  }
0x6: {  	s3 =	simm.s32 $0x0;
	s9 =	simm.s32 $0x200;
	s10 =	simm.s32 $0x4200  }
0x7: {  	s11 =	simm.s32 $0x100;
	s12 =	simm.s32 $0x8200;
	s13 =	simm.s32 $0x180  }
0x8: {  	s14 =	simm.s32 $0xC200;
	s15 =	simm.s32 $0x1;
	s16 =	simm.s32 $0x10200  }
0x9: {  	s17 =	simm.s32 $0x0;
	s6 =	sand.u32 $0x1, s6;
	s7 =	sshll.u32 s1, $0x1  }
0xa: {  	s20 =	simm.s32 $0x0;
	[smem:$0x7FF] =	sst s3;
	s7 =	sor.u32 s6, s7  }
0xb: {  	_ =	strace $0x80000047;
	s6 =	ssub.s32 $0x2, s6;
	s8 =	sshll.u32 s7, $0x4  }
0xc: {  	s31 =	sshrl.u32 s6, $0x1;
	s7 =	sshll.u32 s7, $0x6;
	s5 =	sadd.s32 s8, s5  }
0xd: {  	s6 =	ssub.s32 s6, s31;
	s4 =	sadd.s32 s4, s7;
	s7 =	simm.s32 $0x2  }
0xe: {  	s8 =	simm.s32 $0x80;
	s5 =	sadd.s32 $0x600, s5;
	s6 =	smax.u32 s6, $0x1  }
.LBB2_1:
0xf: {  	[tilespmem:s3], [sflag:$0x2] =	stream.linear.gather [hbm4b:s4+s3], $0x200, $0x38;
	[tilespmem:$0x10280] =	vst v63  }
0x10: {  	_ =	swait.ge [sflag:s7], $0x200  }
0x11: {  	[sflag:s7] =	ssyncset.done $0x0  }
0x12: {  	[sflag:s7] =	ssyncadd.s32 $0xFFFFFE00  }
0x13: {  	[tilespmem:s9], [sflag:$0x1] =	stream.indirect.gather [hbm4b:s2+s8], $0x80, s3, s8, $0xb8;
	[tilespmem:$0x10280] =	vst v63  }
0x14: {  	_ = 	snop  }
0x15: {  	[tilespmem:s10], [sflag:$0x1] =	stream.indirect.gather [hbm4b:s2+s8], $0x80, s8, s8, $0xb8;
	[tilespmem:$0x10280] =	vst v63  }
0x16: {  	_ = 	snop  }
0x17: {  	[tilespmem:s12], [sflag:$0x1] =	stream.indirect.gather [hbm4b:s2+s8], $0x80, s11, s8, $0xb8;
	[tilespmem:$0x10280] =	vst v63  }
0x18: {  	_ = 	snop  }
0x19: {  	[tilespmem:s14], [sflag:$0x1] =	stream.indirect.gather [hbm4b:s2+s8], $0x80, s13, s8, $0xb8;
	[tilespmem:$0x10280] =	vst v63  }
0x1a: {  	_ =	swait.ge [sflag:s15], $0x4000  }
0x1b: {  	[sflag:s15] =	ssyncset.done $0x0  }
0x1c: {  	[sflag:s15] =	ssyncadd.s32 $0xFFFFC000  }
0x1d: {  	_ =	swait.ge [sflag:s15], $0x4000  }
0x1e: {  	[sflag:s15] =	ssyncset.done $0x0  }
0x1f: {  	[sflag:s15] =	ssyncadd.s32 $0xFFFFC000  }
0x20: {  	_ =	swait.ge [sflag:s15], $0x4000  }
0x21: {  	[sflag:s15] =	ssyncset.done $0x0  }
0x22: {  	[sflag:s15] =	ssyncadd.s32 $0xFFFFC000  }
0x23: {  	_ =	swait.ge [sflag:s15], $0x4000  }
0x24: {  	[sflag:s15] =	ssyncset.done $0x0  }
0x25: {  	[sflag:s15] =	ssyncadd.s32 $0xFFFFC000  }
0x26: {  	v0 =	vld [tilespmem:s20+$0x270]  }
0x27: {  	v2 =	vld [tilespmem:s20+$0x200]  }
0x28: {  	v3 =	vld [tilespmem:s20+$0x210]  }
0x29: {  	v11 =	vld [tilespmem:s20+$0x220]  }
0x2a: {  	v10 =	vld [tilespmem:s20+$0x230]  }
0x2b: {  	v1 =	vimm.f32 $0.0e+00;
	v6 =	vimm.f32 $0.0e+00;
	v7 =	vld [tilespmem:s20+$0x240]  }
0x2c: {  	v8 =	vimm.f32 $0.0e+00;
	v4 =	vimm.f32 $0.0e+00;
	v9 =	vld [tilespmem:s20+$0x250];
	v0 =	vadd.f32 v0, v1  }
0x2d: {  	s18 =	simm.s32 $0x80;
	s19 =	simm.s32 $0x400;
	v12 =	vld [tilespmem:s20+$0x260];
	v5 =	vadd.f32 v2, v1;
	v3 =	vadd.f32 v3, v1;
	v2 =	vimm.f32 $0.0e+00  }
.LBB2_2:
0x2e: {  	p0 =	sne.s32 s19, $0x3FE00;
	v13 =	vld [tilespmem:s18+$0x270];
	v1 =	vadd.f32 v11, v1  }
0x2f: {  	v14 =	vld [tilespmem:s18+$0x200];
	v6 =	vadd.f32 v10, v6  }
0x30: {  	v15 =	vld [tilespmem:s18+$0x210];
	v8 =	vadd.f32 v7, v8  }
.Ltmp0:
0x31: {  	v11 =	vld [tilespmem:s18+$0x220];
	v4 =	vadd.f32 v9, v4;
	(pc) =	sbr.rel @p0 .LBB2_2-.Ltmp0, $4  }
0x32: {  	v10 =	vld [tilespmem:s18+$0x230];
	v2 =	vadd.f32 v12, v2  }
0x33: {  	v7 =	vld [tilespmem:s18+$0x240];
	v0 =	vadd.f32 v13, v0  }
0x34: {  	v5 =	vadd.f32 v14, v5;
	v9 =	vld [tilespmem:s18+$0x250]  }
0x35: {  	v3 =	vadd.f32 v15, v3;
	v12 =	vld [tilespmem:s18+$0x260];
	s18 =	sshra.s32 s19, $0x2;
	s19 =	sadd.s32 $0x200, s19  }
0x36: {  	v14 =	vld [tilespmem:s18+$0x200]  }
0x37: {  	v15 =	vld [tilespmem:s18+$0x210]  }
0x38: {  	v16 =	vld [tilespmem:s18+$0x220]  }
0x39: {  	v17 =	vld [tilespmem:s18+$0x230]  }
0x3a: {  	v18 =	vld [tilespmem:s18+$0x240]  }
0x3b: {  	v1 =	vadd.f32 v11, v1;
	v59 =	vld [tilespmem:s18+$0x250];
	v5 =	vadd.f32 v14, v5  }
0x3c: {  	v13 =	vld [tilespmem:s18+$0x270];
	v6 =	vadd.f32 v10, v6;
	v3 =	vadd.f32 v15, v3  }
0x3d: {  	v60 =	vld [tilespmem:s18+$0x260];
	v7 =	vadd.f32 v7, v8;
	v1 =	vadd.f32 v16, v1;
	[tilespmem:$0x10200] =	vst v5  }
0x3e: {  	v4 =	vadd.f32 v9, v4;
	v61 =	vadd.f32 v17, v6;
	[tilespmem:$0x10210] =	vst v3  }
0x3f: {  	v62 =	vadd.f32 v18, v7;
	[tilespmem:$0x10220] =	vst v1  }
0x40: {  	v2 =	vadd.f32 v12, v2;
	v63 =	vadd.f32 v59, v4;
	[tilespmem:$0x10230] =	vst v61  }
0x41: {  	v0 =	vadd.f32 v13, v0;
	[tilespmem:$0x10240] =	vst v62  }
0x42: {  	s17 =	sadd.s32 $0x1, s17;
	v2 =	vadd.f32 v60, v2;
	[tilespmem:$0x10250] =	vst v63  }
0x43: {  	p0 =	sne.s32 s17, s6;
	[tilespmem:$0x10270] =	vst v0  }
.Ltmp1:
0x44: {  	[tilespmem:$0x10260] =	vst v2;
	(pc) =	sbr.rel @p0 .LBB2_1-.Ltmp1, $4  }
0x45: {  	[hbm4b:s5+s3] =	stream.linear.scatter [tilespmem:s16], [sflag:$0x2], $0x80, $0x38;
	[tilespmem:$0x10280] =	vst v63  }
0x46: {  	_ =	swait.ge [sflag:s7], $0x80  }
0x47: {  	[sflag:s7] =	ssyncset.done $0x0  }
0x48: {  	[sflag:s7] =	ssyncadd.s32 $0xFFFFFF80  }
0x49: {  	_ =	sfence.sel $0x180000  }
0x4a: {  	[bflag:$0x0] =	sbarrier.arrive $0xFFFF  }
0x4b: {  	p0 =	sne.s32 s1, $0x0;
	_ =	strace $0x90000047  }
0x4c: {  	s0 =	sadd.s32 @!p0 $0x100000, s0;
	[bflag:$0x2] =	sbarrier.arrive $0xFFFF  }
0x4d: {  	[sflag:s0] =	ssyncadd.tile.s32 @!p0 $0x1;
	_ =	shalt  }
.Lfunc_end2:
_tile_overlayer_lowered:
.L_overlay_start_2:
0x4e: {  	(tag) =	ssettag $0x2  }
0x4f: {  	s0 =	rddreg [dreg:$0x0];
	s2 =	stileid.u32  }
0x50: {  	s1 =	rddreg [dreg:$0x1];
	p0 =	sne.s32 s2, $0x0  }
0x51: {  	s3 =	rddreg [dreg:$0x2];
	[bflag:$0x3] =	sbarrier.arrive $0xFFFF;
	s2 =	simm.s32 @!p0 $0x1C02  }
0x52: {  	[timem:s3], [sflag:s2] =	dma.local @!p0 [hbm:s0], s1  }
0x53: {  	s0 =	simm.s32 @!p0 $0x2  }
0x54: {  	_ =	swait.ge @!p0 [sflag:s0], s1  }
0x55: {  	s1 =	ssub.s32 @!p0 $0x0, s1;
	[sflag:s0] =	ssyncset.done @!p0 $0x0  }
0x56: {  	[sflag:s0] =	ssyncadd.s32 @!p0 s1  }
0x57: {  	[bflag:$0x3] =	sbarrier.arrive $0xFFFF  }
0x58: {  	_ =	shalt  }

</sc_bundles>
